<compile_context>
chip_gen: v7x
topology: tpu7x:2x2x1
jax: 0.10.2.dev20260603
libtpu: 0.0.44.dev20260713+nightly
codegen_flags: <defaults>
</compile_context>

<pallas_src>
import functools

import jax
import jax.numpy as jnp
from jax import lax
from jax.experimental import pallas as pl
from jax.experimental.pallas import tpu as pltpu
from jax.experimental.pallas import tpu_sc as plsc

_NUM_WORKERS = 32
_NUM_CORES = 2
_PIECE_ROWS = 8


def _sc_body(x_hbm, out_hbm, buf, stripe, in_sems, out_sems, n_rows, n_cols):
    wid = lax.axis_index("s") * _NUM_CORES + lax.axis_index("c")
    chunk = n_rows // _NUM_WORKERS
    base = wid * chunk
    num_pieces = chunk // _PIECE_ROWS

    def in_copy(g, slot):
        rows = pl.ds(base + g * _PIECE_ROWS, _PIECE_ROWS)
        return pltpu.make_async_copy(
            x_hbm.at[rows, :], buf.at[slot], in_sems.at[slot]
        )

    def out_copy(g, slot):
        rows = pl.ds(base + g * _PIECE_ROWS, _PIECE_ROWS)
        return pltpu.make_async_copy(
            buf.at[slot], out_hbm.at[rows, :], out_sems.at[slot]
        )

    in_copy(0, 0).start()
    in_copy(1, 1).start()

    def round_body(i, _):
        g0 = 2 * i
        for slot in (0, 1):
            g = g0 + slot
            in_copy(g, slot).wait()
            out_copy(g, slot).start()

        @pl.when(g0 + 2 < num_pieces)
        def _():
            for slot in (0, 1):
                g = g0 + slot
                out_copy(g, slot).wait()
                in_copy(g + 2, slot).start()

        return _

    lax.fori_loop(0, num_pieces // 2, round_body, None)
    for slot in (0, 1):
        out_copy(num_pieces - 2 + slot, slot).wait()

    lane = lax.iota(jnp.int32, 16)

    @pl.when(wid == 0)
    def _():
        pltpu.sync_copy(out_hbm.at[0, pl.ds(n_cols - 16, 16)], stripe)
        stripe[...] = jnp.where(lane == 14, jnp.float32(1.0), stripe[...])
        pltpu.sync_copy(stripe, out_hbm.at[0, pl.ds(n_cols - 16, 16)])

    @pl.when(wid == _NUM_WORKERS - 1)
    def _():
        pltpu.sync_copy(out_hbm.at[n_rows - 1, pl.ds(0, 16)], stripe)
        stripe[...] = jnp.where(lane == 1, jnp.float32(5.0), stripe[...])
        pltpu.sync_copy(stripe, out_hbm.at[n_rows - 1, pl.ds(0, 16)])


@jax.jit
def kernel(x):
    n_rows, n_cols = x.shape
    mesh = plsc.VectorSubcoreMesh(core_axis_name="c", subcore_axis_name="s")
    body = functools.partial(_sc_body, n_rows=n_rows, n_cols=n_cols)
    sc_call = pl.kernel(
        body,
        out_type=jax.ShapeDtypeStruct(x.shape, x.dtype),
        mesh=mesh,
        scratch_types=[
            pltpu.VMEM((2, _PIECE_ROWS, n_cols), jnp.float32),
            pltpu.VMEM((16,), jnp.float32),
            pltpu.SemaphoreType.DMA((2,)),
            pltpu.SemaphoreType.DMA((2,)),
        ],
    )
    return sc_call(x)

# --- scband reference (transcript-rebuilt; emitter-appended) ---
"""Pipeline reference for scband-model-11879879543796 (READ-ONLY COPY).

The authoritative reference and input builder live on the scoring server;
editing this copy changes nothing except your own understanding.
"""

import jax, jax.numpy as jnp
import numpy as np

def setup_inputs(seed: int = 0) -> dict:
    key = jax.random.key(seed)
    x = jax.random.normal(key, (16384, 4096), dtype=jnp.float32)
    return {"x": x}

def reference(x):
    # Equivalent of torch index_put_ with indices ([0,-1],[-2,1]) and values [1.0,5.0]
    n_rows, n_cols = x.shape
    rows = jnp.array([0, n_rows - 1], dtype=jnp.int32)
    cols = jnp.array([n_cols - 2, 1], dtype=jnp.int32)
    vals = jnp.array([1.0, 5.0], dtype=x.dtype)
    # x.clone() then scatter-overwrite; jax .at[].set is functional (implicit clone)
    return x.at[rows, cols].set(vals)

if __name__ == "__main__":
    import jax
    _d = setup_inputs()
    print(jax.jit(kernel)(*tuple(_d.values())))

</pallas_src>

<mosaic_0001>
#map = affine_map<(d0, d1) -> (0, 0)>
module attributes {stable_mosaic.version = 14 : i64} {
  func.func @_sc_body(%arg0: i32, %arg1: i32, %arg2: memref<16384x4096xf32, #tpu.memory_space<hbm>>, %arg3: memref<16384x4096xf32, #tpu.memory_space<hbm>>, %arg4: memref<2x8x4096xf32, #tpu.memory_space<vmem>>, %arg5: memref<16xf32, #tpu.memory_space<vmem>>, %arg6: memref<2x!tpu.dma_semaphore, #tpu.memory_space<semaphore_mem>>, %arg7: memref<2x!tpu.dma_semaphore, #tpu.memory_space<semaphore_mem>>) attributes {dimension_semantics = [#tpu.dimension_semantics<core_parallel>, #tpu.dimension_semantics<subcore_parallel>], iteration_bounds = array<i64: 2, 16>, scalar_prefetch = 0 : i64, scratch_operands = 4 : i64, tpu.core_type = #tpu.core_type<sc_vector_subcore>, window_params = [{transform_indices = #map}, {transform_indices = #map}]} {
    %mul3A = arith.constant 2 : i32
    %mul3A_0 = arith.muli %arg1, %mul3A : i32
    %add3A = arith.addi %mul3A_0, %arg0 : i32
    %mul3A_1 = arith.constant 512 : i32
    %mul3A_2 = arith.muli %add3A, %mul3A_1 : i32
    %add3A_3 = arith.constant 0 : i32
    %add3A_4 = arith.addi %mul3A_2, %add3A_3 : i32
    %dma_start3A = arith.constant 0 : i32
    %dma_start3A_5 = arith.constant 0 : i32
    %dma_start3A_6 = arith.constant 0 : i32
    %dma_start3A_7 = arith.constant 0 : i32
    %dma_start3A_8 = tpu.memref_slice %arg4[%dma_start3A, %dma_start3A_6, %dma_start3A_7] : memref<2x8x4096xf32, #tpu.memory_space<vmem>> -> memref<1x8x4096xf32, #tpu.memory_space<vmem>>
    %dma_start3A_9 = tpu.memref_squeeze %dma_start3A_8 : memref<1x8x4096xf32, #tpu.memory_space<vmem>> -> memref<8x4096xf32, #tpu.memory_space<vmem>>
    %dma_start3A_10 = arith.constant 0 : i32
    %dma_start3A_11 = tpu.memref_slice %arg2[%add3A_4, %dma_start3A_10] : memref<16384x4096xf32, #tpu.memory_space<hbm>> -> memref<8x4096xf32, #tpu.memory_space<hbm>>
    %dma_start3A_12 = tpu.memref_slice %arg6[%dma_start3A_5] : memref<2x!tpu.dma_semaphore, #tpu.memory_space<semaphore_mem>> -> memref<1x!tpu.dma_semaphore, #tpu.memory_space<semaphore_mem>>
    %dma_start3A_13 = tpu.memref_squeeze %dma_start3A_12 : memref<1x!tpu.dma_semaphore, #tpu.memory_space<semaphore_mem>> -> memref<!tpu.dma_semaphore, #tpu.memory_space<semaphore_mem>>
    %dma_start3A_14 = arith.constant 0 : i32
    %dma_start3A_15 = arith.constant 0 : i32
    %dma_start3A_16 = tpu.memref_slice %arg4[%dma_start3A, %dma_start3A_14, %dma_start3A_15] : memref<2x8x4096xf32, #tpu.memory_space<vmem>> -> memref<1x8x4096xf32, #tpu.memory_space<vmem>>
    %dma_start3A_17 = tpu.memref_squeeze %dma_start3A_16 : memref<1x8x4096xf32, #tpu.memory_space<vmem>> -> memref<8x4096xf32, #tpu.memory_space<vmem>>
    %dma_start3A_18 = arith.constant 0 : i32
    %dma_start3A_19 = tpu.memref_slice %arg2[%add3A_4, %dma_start3A_18] : memref<16384x4096xf32, #tpu.memory_space<hbm>> -> memref<8x4096xf32, #tpu.memory_space<hbm>>
    tpu.enqueue_dma source(%dma_start3A_19 : memref<8x4096xf32, #tpu.memory_space<hbm>>) target(%dma_start3A_17 : memref<8x4096xf32, #tpu.memory_space<vmem>>) target_semaphore(%dma_start3A_13 : memref<!tpu.dma_semaphore, #tpu.memory_space<semaphore_mem>>)
    %add3A_20 = arith.constant 8 : i32
    %add3A_21 = arith.addi %mul3A_2, %add3A_20 : i32
    %dma_start3A_22 = arith.constant 1 : i32
    %dma_start3A_23 = arith.constant 1 : i32
    %dma_start3A_24 = arith.constant 0 : i32
    %dma_start3A_25 = arith.constant 0 : i32
    %dma_start3A_26 = tpu.memref_slice %arg4[%dma_start3A_22, %dma_start3A_24, %dma_start3A_25] : memref<2x8x4096xf32, #tpu.memory_space<vmem>> -> memref<1x8x4096xf32, #tpu.memory_space<vmem>>
    %dma_start3A_27 = tpu.memref_squeeze %dma_start3A_26 : memref<1x8x4096xf32, #tpu.memory_space<vmem>> -> memref<8x4096xf32, #tpu.memory_space<vmem>>
    %dma_start3A_28 = arith.constant 0 : i32
    %dma_start3A_29 = tpu.memref_slice %arg2[%add3A_21, %dma_start3A_28] : memref<16384x4096xf32, #tpu.memory_space<hbm>> -> memref<8x4096xf32, #tpu.memory_space<hbm>>
    %dma_start3A_30 = tpu.memref_slice %arg6[%dma_start3A_23] : memref<2x!tpu.dma_semaphore, #tpu.memory_space<semaphore_mem>> -> memref<1x!tpu.dma_semaphore, #tpu.memory_space<semaphore_mem>>
    %dma_start3A_31 = tpu.memref_squeeze %dma_start3A_30 : memref<1x!tpu.dma_semaphore, #tpu.memory_space<semaphore_mem>> -> memref<!tpu.dma_semaphore, #tpu.memory_space<semaphore_mem>>
    %dma_start3A_32 = arith.constant 0 : i32
    %dma_start3A_33 = arith.constant 0 : i32
    %dma_start3A_34 = tpu.memref_slice %arg4[%dma_start3A_22, %dma_start3A_32, %dma_start3A_33] : memref<2x8x4096xf32, #tpu.memory_space<vmem>> -> memref<1x8x4096xf32, #tpu.memory_space<vmem>>
    %dma_start3A_35 = tpu.memref_squeeze %dma_start3A_34 : memref<1x8x4096xf32, #tpu.memory_space<vmem>> -> memref<8x4096xf32, #tpu.memory_space<vmem>>
    %dma_start3A_36 = arith.constant 0 : i32
    %dma_start3A_37 = tpu.memref_slice %arg2[%add3A_21, %dma_start3A_36] : memref<16384x4096xf32, #tpu.memory_space<hbm>> -> memref<8x4096xf32, #tpu.memory_space<hbm>>
    tpu.enqueue_dma source(%dma_start3A_37 : memref<8x4096xf32, #tpu.memory_space<hbm>>) target(%dma_start3A_35 : memref<8x4096xf32, #tpu.memory_space<vmem>>) target_semaphore(%dma_start3A_31 : memref<!tpu.dma_semaphore, #tpu.memory_space<semaphore_mem>>)
    %scan3A = arith.constant 0 : i32
    %scan3A_38 = arith.constant 32 : i32
    %scan3A_39 = arith.addi %scan3A, %scan3A_38 : i32
    %scan3A_40 = arith.constant 1 : i32
    scf.for %scan3A_84 = %scan3A to %scan3A_39 step %scan3A_40  : i32 {
      %mul3A_85 = arith.constant 2 : i32
      %mul3A_86 = arith.muli %mul3A_85, %scan3A_84 : i32
      %add3A_87 = arith.constant 0 : i32
      %add3A_88 = arith.addi %mul3A_86, %add3A_87 : i32
      %mul3A_89 = arith.constant 8 : i32
      %mul3A_90 = arith.muli %add3A_88, %mul3A_89 : i32
      %add3A_91 = arith.addi %mul3A_2, %mul3A_90 : i32
      %dma_wait3A_92 = arith.constant 0 : i32
      %dma_wait3A_93 = arith.constant 0 : i32
      %dma_wait3A_94 = arith.constant 0 : i32
      %dma_wait3A_95 = arith.constant 0 : i32
      %dma_wait3A_96 = tpu.memref_slice %arg4[%dma_wait3A_92, %dma_wait3A_94, %dma_wait3A_95] : memref<2x8x4096xf32, #tpu.memory_space<vmem>> -> memref<1x8x4096xf32, #tpu.memory_space<vmem>>
      %dma_wait3A_97 = tpu.memref_squeeze %dma_wait3A_96 : memref<1x8x4096xf32, #tpu.memory_space<vmem>> -> memref<8x4096xf32, #tpu.memory_space<vmem>>
      %dma_wait3A_98 = arith.constant 0 : i32
      %dma_wait3A_99 = tpu.memref_slice %arg2[%add3A_91, %dma_wait3A_98] : memref<16384x4096xf32, #tpu.memory_space<hbm>> -> memref<8x4096xf32, #tpu.memory_space<hbm>>
      %dma_wait3A_100 = tpu.memref_slice %arg6[%dma_wait3A_93] : memref<2x!tpu.dma_semaphore, #tpu.memory_space<semaphore_mem>> -> memref<1x!tpu.dma_semaphore, #tpu.memory_space<semaphore_mem>>
      %dma_wait3A_101 = tpu.memref_squeeze %dma_wait3A_100 : memref<1x!tpu.dma_semaphore, #tpu.memory_space<semaphore_mem>> -> memref<!tpu.dma_semaphore, #tpu.memory_space<semaphore_mem>>
      %dma_wait3A_102 = arith.constant 0 : i32
      %dma_wait3A_103 = arith.constant 0 : i32
      %dma_wait3A_104 = tpu.memref_slice %arg4[%dma_wait3A_92, %dma_wait3A_102, %dma_wait3A_103] : memref<2x8x4096xf32, #tpu.memory_space<vmem>> -> memref<1x8x4096xf32, #tpu.memory_space<vmem>>
      %dma_wait3A_105 = tpu.memref_squeeze %dma_wait3A_104 : memref<1x8x4096xf32, #tpu.memory_space<vmem>> -> memref<8x4096xf32, #tpu.memory_space<vmem>>
      %dma_wait3A_106 = arith.constant 0 : i32
      %dma_wait3A_107 = tpu.memref_slice %arg2[%add3A_91, %dma_wait3A_106] : memref<16384x4096xf32, #tpu.memory_space<hbm>> -> memref<8x4096xf32, #tpu.memory_space<hbm>>
      tpu.wait_dma2 semaphore(%dma_wait3A_101 : memref<!tpu.dma_semaphore, #tpu.memory_space<semaphore_mem>>) src(%dma_wait3A_107 : memref<8x4096xf32, #tpu.memory_space<hbm>>) dst(%dma_wait3A_105 : memref<8x4096xf32, #tpu.memory_space<vmem>>)
      %mul3A_108 = arith.constant 8 : i32
      %mul3A_109 = arith.muli %add3A_88, %mul3A_108 : i32
      %add3A_110 = arith.addi %mul3A_2, %mul3A_109 : i32
      %dma_start3A_111 = arith.constant 0 : i32
      %dma_start3A_112 = arith.constant 0 : i32
      %dma_start3A_113 = arith.constant 0 : i32
      %dma_start3A_114 = arith.constant 0 : i32
      %dma_start3A_115 = tpu.memref_slice %arg4[%dma_start3A_111, %dma_start3A_113, %dma_start3A_114] : memref<2x8x4096xf32, #tpu.memory_space<vmem>> -> memref<1x8x4096xf32, #tpu.memory_space<vmem>>
      %dma_start3A_116 = tpu.memref_squeeze %dma_start3A_115 : memref<1x8x4096xf32, #tpu.memory_space<vmem>> -> memref<8x4096xf32, #tpu.memory_space<vmem>>
      %dma_start3A_117 = arith.constant 0 : i32
      %dma_start3A_118 = tpu.memref_slice %arg3[%add3A_110, %dma_start3A_117] : memref<16384x4096xf32, #tpu.memory_space<hbm>> -> memref<8x4096xf32, #tpu.memory_space<hbm>>
      %dma_start3A_119 = tpu.memref_slice %arg7[%dma_start3A_112] : memref<2x!tpu.dma_semaphore, #tpu.memory_space<semaphore_mem>> -> memref<1x!tpu.dma_semaphore, #tpu.memory_space<semaphore_mem>>
      %dma_start3A_120 = tpu.memref_squeeze %dma_start3A_119 : memref<1x!tpu.dma_semaphore, #tpu.memory_space<semaphore_mem>> -> memref<!tpu.dma_semaphore, #tpu.memory_space<semaphore_mem>>
      %dma_start3A_121 = arith.constant 0 : i32
      %dma_start3A_122 = tpu.memref_slice %arg3[%add3A_110, %dma_start3A_121] : memref<16384x4096xf32, #tpu.memory_space<hbm>> -> memref<8x4096xf32, #tpu.memory_space<hbm>>
      %dma_start3A_123 = arith.constant 0 : i32
      %dma_start3A_124 = arith.constant 0 : i32
      %dma_start3A_125 = tpu.memref_slice %arg4[%dma_start3A_111, %dma_start3A_123, %dma_start3A_124] : memref<2x8x4096xf32, #tpu.memory_space<vmem>> -> memref<1x8x4096xf32, #tpu.memory_space<vmem>>
      %dma_start3A_126 = tpu.memref_squeeze %dma_start3A_125 : memref<1x8x4096xf32, #tpu.memory_space<vmem>> -> memref<8x4096xf32, #tpu.memory_space<vmem>>
      tpu.enqueue_dma source(%dma_start3A_126 : memref<8x4096xf32, #tpu.memory_space<vmem>>) target(%dma_start3A_122 : memref<8x4096xf32, #tpu.memory_space<hbm>>) target_semaphore(%dma_start3A_120 : memref<!tpu.dma_semaphore, #tpu.memory_space<semaphore_mem>>)
      %add3A_127 = arith.constant 1 : i32
      %add3A_128 = arith.addi %mul3A_86, %add3A_127 : i32
      %mul3A_129 = arith.constant 8 : i32
      %mul3A_130 = arith.muli %add3A_128, %mul3A_129 : i32
      %add3A_131 = arith.addi %mul3A_2, %mul3A_130 : i32
      %dma_wait3A_132 = arith.constant 1 : i32
      %dma_wait3A_133 = arith.constant 1 : i32
      %dma_wait3A_134 = arith.constant 0 : i32
      %dma_wait3A_135 = arith.constant 0 : i32
      %dma_wait3A_136 = tpu.memref_slice %arg4[%dma_wait3A_132, %dma_wait3A_134, %dma_wait3A_135] : memref<2x8x4096xf32, #tpu.memory_space<vmem>> -> memref<1x8x4096xf32, #tpu.memory_space<vmem>>
      %dma_wait3A_137 = tpu.memref_squeeze %dma_wait3A_136 : memref<1x8x4096xf32, #tpu.memory_space<vmem>> -> memref<8x4096xf32, #tpu.memory_space<vmem>>
      %dma_wait3A_138 = arith.constant 0 : i32
      %dma_wait3A_139 = tpu.memref_slice %arg2[%add3A_131, %dma_wait3A_138] : memref<16384x4096xf32, #tpu.memory_space<hbm>> -> memref<8x4096xf32, #tpu.memory_space<hbm>>
      %dma_wait3A_140 = tpu.memref_slice %arg6[%dma_wait3A_133] : memref<2x!tpu.dma_semaphore, #tpu.memory_space<semaphore_mem>> -> memref<1x!tpu.dma_semaphore, #tpu.memory_space<semaphore_mem>>
      %dma_wait3A_141 = tpu.memref_squeeze %dma_wait3A_140 : memref<1x!tpu.dma_semaphore, #tpu.memory_space<semaphore_mem>> -> memref<!tpu.dma_semaphore, #tpu.memory_space<semaphore_mem>>
      %dma_wait3A_142 = arith.constant 0 : i32
      %dma_wait3A_143 = arith.constant 0 : i32
      %dma_wait3A_144 = tpu.memref_slice %arg4[%dma_wait3A_132, %dma_wait3A_142, %dma_wait3A_143] : memref<2x8x4096xf32, #tpu.memory_space<vmem>> -> memref<1x8x4096xf32, #tpu.memory_space<vmem>>
      %dma_wait3A_145 = tpu.memref_squeeze %dma_wait3A_144 : memref<1x8x4096xf32, #tpu.memory_space<vmem>> -> memref<8x4096xf32, #tpu.memory_space<vmem>>
      %dma_wait3A_146 = arith.constant 0 : i32
      %dma_wait3A_147 = tpu.memref_slice %arg2[%add3A_131, %dma_wait3A_146] : memref<16384x4096xf32, #tpu.memory_space<hbm>> -> memref<8x4096xf32, #tpu.memory_space<hbm>>
      tpu.wait_dma2 semaphore(%dma_wait3A_141 : memref<!tpu.dma_semaphore, #tpu.memory_space<semaphore_mem>>) src(%dma_wait3A_147 : memref<8x4096xf32, #tpu.memory_space<hbm>>) dst(%dma_wait3A_145 : memref<8x4096xf32, #tpu.memory_space<vmem>>)
      %mul3A_148 = arith.constant 8 : i32
      %mul3A_149 = arith.muli %add3A_128, %mul3A_148 : i32
      %add3A_150 = arith.addi %mul3A_2, %mul3A_149 : i32
      %dma_start3A_151 = arith.constant 1 : i32
      %dma_start3A_152 = arith.constant 1 : i32
      %dma_start3A_153 = arith.constant 0 : i32
      %dma_start3A_154 = arith.constant 0 : i32
      %dma_start3A_155 = tpu.memref_slice %arg4[%dma_start3A_151, %dma_start3A_153, %dma_start3A_154] : memref<2x8x4096xf32, #tpu.memory_space<vmem>> -> memref<1x8x4096xf32, #tpu.memory_space<vmem>>
      %dma_start3A_156 = tpu.memref_squeeze %dma_start3A_155 : memref<1x8x4096xf32, #tpu.memory_space<vmem>> -> memref<8x4096xf32, #tpu.memory_space<vmem>>
      %dma_start3A_157 = arith.constant 0 : i32
      %dma_start3A_158 = tpu.memref_slice %arg3[%add3A_150, %dma_start3A_157] : memref<16384x4096xf32, #tpu.memory_space<hbm>> -> memref<8x4096xf32, #tpu.memory_space<hbm>>
      %dma_start3A_159 = tpu.memref_slice %arg7[%dma_start3A_152] : memref<2x!tpu.dma_semaphore, #tpu.memory_space<semaphore_mem>> -> memref<1x!tpu.dma_semaphore, #tpu.memory_space<semaphore_mem>>
      %dma_start3A_160 = tpu.memref_squeeze %dma_start3A_159 : memref<1x!tpu.dma_semaphore, #tpu.memory_space<semaphore_mem>> -> memref<!tpu.dma_semaphore, #tpu.memory_space<semaphore_mem>>
      %dma_start3A_161 = arith.constant 0 : i32
      %dma_start3A_162 = tpu.memref_slice %arg3[%add3A_150, %dma_start3A_161] : memref<16384x4096xf32, #tpu.memory_space<hbm>> -> memref<8x4096xf32, #tpu.memory_space<hbm>>
      %dma_start3A_163 = arith.constant 0 : i32
      %dma_start3A_164 = arith.constant 0 : i32
      %dma_start3A_165 = tpu.memref_slice %arg4[%dma_start3A_151, %dma_start3A_163, %dma_start3A_164] : memref<2x8x4096xf32, #tpu.memory_space<vmem>> -> memref<1x8x4096xf32, #tpu.memory_space<vmem>>
      %dma_start3A_166 = tpu.memref_squeeze %dma_start3A_165 : memref<1x8x4096xf32, #tpu.memory_space<vmem>> -> memref<8x4096xf32, #tpu.memory_space<vmem>>
      tpu.enqueue_dma source(%dma_start3A_166 : memref<8x4096xf32, #tpu.memory_space<vmem>>) target(%dma_start3A_162 : memref<8x4096xf32, #tpu.memory_space<hbm>>) target_semaphore(%dma_start3A_160 : memref<!tpu.dma_semaphore, #tpu.memory_space<semaphore_mem>>)
      %add3A_167 = arith.constant 2 : i32
      %add3A_168 = arith.addi %mul3A_86, %add3A_167 : i32
      %lt3A = arith.constant 64 : i32
      %lt3A_169 = arith.cmpi slt, %add3A_168, %lt3A : i32
      %convert_element_type3A_170 = arith.extui %lt3A_169 : i1 to i32
      %cond3A_171 = arith.constant 0 : i32
      %cond3A_172 = arith.cmpi ne, %convert_element_type3A_170, %cond3A_171 : i32
      scf.if %cond3A_172 {
        %add3A_173 = arith.constant 0 : i32
        %add3A_174 = arith.addi %mul3A_86, %add3A_173 : i32
        %mul3A_175 = arith.constant 8 : i32
        %mul3A_176 = arith.muli %add3A_174, %mul3A_175 : i32
        %add3A_177 = arith.addi %mul3A_2, %mul3A_176 : i32
        %dma_wait3A_178 = arith.constant 0 : i32
        %dma_wait3A_179 = arith.constant 0 : i32
        %dma_wait3A_180 = arith.constant 0 : i32
        %dma_wait3A_181 = arith.constant 0 : i32
        %dma_wait3A_182 = tpu.memref_slice %arg4[%dma_wait3A_178, %dma_wait3A_180, %dma_wait3A_181] : memref<2x8x4096xf32, #tpu.memory_space<vmem>> -> memref<1x8x4096xf32, #tpu.memory_space<vmem>>
        %dma_wait3A_183 = tpu.memref_squeeze %dma_wait3A_182 : memref<1x8x4096xf32, #tpu.memory_space<vmem>> -> memref<8x4096xf32, #tpu.memory_space<vmem>>
        %dma_wait3A_184 = arith.constant 0 : i32
        %dma_wait3A_185 = tpu.memref_slice %arg3[%add3A_177, %dma_wait3A_184] : memref<16384x4096xf32, #tpu.memory_space<hbm>> -> memref<8x4096xf32, #tpu.memory_space<hbm>>
        %dma_wait3A_186 = tpu.memref_slice %arg7[%dma_wait3A_179] : memref<2x!tpu.dma_semaphore, #tpu.memory_space<semaphore_mem>> -> memref<1x!tpu.dma_semaphore, #tpu.memory_space<semaphore_mem>>
        %dma_wait3A_187 = tpu.memref_squeeze %dma_wait3A_186 : memref<1x!tpu.dma_semaphore, #tpu.memory_space<semaphore_mem>> -> memref<!tpu.dma_semaphore, #tpu.memory_space<semaphore_mem>>
        %dma_wait3A_188 = arith.constant 0 : i32
        %dma_wait3A_189 = tpu.memref_slice %arg3[%add3A_177, %dma_wait3A_188] : memref<16384x4096xf32, #tpu.memory_space<hbm>> -> memref<8x4096xf32, #tpu.memory_space<hbm>>
        %dma_wait3A_190 = arith.constant 0 : i32
        %dma_wait3A_191 = arith.constant 0 : i32
        %dma_wait3A_192 = tpu.memref_slice %arg4[%dma_wait3A_178, %dma_wait3A_190, %dma_wait3A_191] : memref<2x8x4096xf32, #tpu.memory_space<vmem>> -> memref<1x8x4096xf32, #tpu.memory_space<vmem>>
        %dma_wait3A_193 = tpu.memref_squeeze %dma_wait3A_192 : memref<1x8x4096xf32, #tpu.memory_space<vmem>> -> memref<8x4096xf32, #tpu.memory_space<vmem>>
        tpu.wait_dma2 semaphore(%dma_wait3A_187 : memref<!tpu.dma_semaphore, #tpu.memory_space<semaphore_mem>>) src(%dma_wait3A_193 : memref<8x4096xf32, #tpu.memory_space<vmem>>) dst(%dma_wait3A_189 : memref<8x4096xf32, #tpu.memory_space<hbm>>)
        %add3A_194 = arith.constant 2 : i32
        %add3A_195 = arith.addi %add3A_174, %add3A_194 : i32
        %mul3A_196 = arith.constant 8 : i32
        %mul3A_197 = arith.muli %add3A_195, %mul3A_196 : i32
        %add3A_198 = arith.addi %mul3A_2, %mul3A_197 : i32
        %dma_start3A_199 = arith.constant 0 : i32
        %dma_start3A_200 = arith.constant 0 : i32
        %dma_start3A_201 = arith.constant 0 : i32
        %dma_start3A_202 = arith.constant 0 : i32
        %dma_start3A_203 = tpu.memref_slice %arg4[%dma_start3A_199, %dma_start3A_201, %dma_start3A_202] : memref<2x8x4096xf32, #tpu.memory_space<vmem>> -> memref<1x8x4096xf32, #tpu.memory_space<vmem>>
        %dma_start3A_204 = tpu.memref_squeeze %dma_start3A_203 : memref<1x8x4096xf32, #tpu.memory_space<vmem>> -> memref<8x4096xf32, #tpu.memory_space<vmem>>
        %dma_start3A_205 = arith.constant 0 : i32
        %dma_start3A_206 = tpu.memref_slice %arg2[%add3A_198, %dma_start3A_205] : memref<16384x4096xf32, #tpu.memory_space<hbm>> -> memref<8x4096xf32, #tpu.memory_space<hbm>>
        %dma_start3A_207 = tpu.memref_slice %arg6[%dma_start3A_200] : memref<2x!tpu.dma_semaphore, #tpu.memory_space<semaphore_mem>> -> memref<1x!tpu.dma_semaphore, #tpu.memory_space<semaphore_mem>>
        %dma_start3A_208 = tpu.memref_squeeze %dma_start3A_207 : memref<1x!tpu.dma_semaphore, #tpu.memory_space<semaphore_mem>> -> memref<!tpu.dma_semaphore, #tpu.memory_space<semaphore_mem>>
        %dma_start3A_209 = arith.constant 0 : i32
        %dma_start3A_210 = arith.constant 0 : i32
        %dma_start3A_211 = tpu.memref_slice %arg4[%dma_start3A_199, %dma_start3A_209, %dma_start3A_210] : memref<2x8x4096xf32, #tpu.memory_space<vmem>> -> memref<1x8x4096xf32, #tpu.memory_space<vmem>>
        %dma_start3A_212 = tpu.memref_squeeze %dma_start3A_211 : memref<1x8x4096xf32, #tpu.memory_space<vmem>> -> memref<8x4096xf32, #tpu.memory_space<vmem>>
        %dma_start3A_213 = arith.constant 0 : i32
        %dma_start3A_214 = tpu.memref_slice %arg2[%add3A_198, %dma_start3A_213] : memref<16384x4096xf32, #tpu.memory_space<hbm>> -> memref<8x4096xf32, #tpu.memory_space<hbm>>
        tpu.enqueue_dma source(%dma_start3A_214 : memref<8x4096xf32, #tpu.memory_space<hbm>>) target(%dma_start3A_212 : memref<8x4096xf32, #tpu.memory_space<vmem>>) target_semaphore(%dma_start3A_208 : memref<!tpu.dma_semaphore, #tpu.memory_space<semaphore_mem>>)
        %add3A_215 = arith.constant 1 : i32
        %add3A_216 = arith.addi %mul3A_86, %add3A_215 : i32
        %mul3A_217 = arith.constant 8 : i32
        %mul3A_218 = arith.muli %add3A_216, %mul3A_217 : i32
        %add3A_219 = arith.addi %mul3A_2, %mul3A_218 : i32
        %dma_wait3A_220 = arith.constant 1 : i32
        %dma_wait3A_221 = arith.constant 1 : i32
        %dma_wait3A_222 = arith.constant 0 : i32
        %dma_wait3A_223 = arith.constant 0 : i32
        %dma_wait3A_224 = tpu.memref_slice %arg4[%dma_wait3A_220, %dma_wait3A_222, %dma_wait3A_223] : memref<2x8x4096xf32, #tpu.memory_space<vmem>> -> memref<1x8x4096xf32, #tpu.memory_space<vmem>>
        %dma_wait3A_225 = tpu.memref_squeeze %dma_wait3A_224 : memref<1x8x4096xf32, #tpu.memory_space<vmem>> -> memref<8x4096xf32, #tpu.memory_space<vmem>>
        %dma_wait3A_226 = arith.constant 0 : i32
        %dma_wait3A_227 = tpu.memref_slice %arg3[%add3A_219, %dma_wait3A_226] : memref<16384x4096xf32, #tpu.memory_space<hbm>> -> memref<8x4096xf32, #tpu.memory_space<hbm>>
        %dma_wait3A_228 = tpu.memref_slice %arg7[%dma_wait3A_221] : memref<2x!tpu.dma_semaphore, #tpu.memory_space<semaphore_mem>> -> memref<1x!tpu.dma_semaphore, #tpu.memory_space<semaphore_mem>>
        %dma_wait3A_229 = tpu.memref_squeeze %dma_wait3A_228 : memref<1x!tpu.dma_semaphore, #tpu.memory_space<semaphore_mem>> -> memref<!tpu.dma_semaphore, #tpu.memory_space<semaphore_mem>>
        %dma_wait3A_230 = arith.constant 0 : i32
        %dma_wait3A_231 = tpu.memref_slice %arg3[%add3A_219, %dma_wait3A_230] : memref<16384x4096xf32, #tpu.memory_space<hbm>> -> memref<8x4096xf32, #tpu.memory_space<hbm>>
        %dma_wait3A_232 = arith.constant 0 : i32
        %dma_wait3A_233 = arith.constant 0 : i32
        %dma_wait3A_234 = tpu.memref_slice %arg4[%dma_wait3A_220, %dma_wait3A_232, %dma_wait3A_233] : memref<2x8x4096xf32, #tpu.memory_space<vmem>> -> memref<1x8x4096xf32, #tpu.memory_space<vmem>>
        %dma_wait3A_235 = tpu.memref_squeeze %dma_wait3A_234 : memref<1x8x4096xf32, #tpu.memory_space<vmem>> -> memref<8x4096xf32, #tpu.memory_space<vmem>>
        tpu.wait_dma2 semaphore(%dma_wait3A_229 : memref<!tpu.dma_semaphore, #tpu.memory_space<semaphore_mem>>) src(%dma_wait3A_235 : memref<8x4096xf32, #tpu.memory_space<vmem>>) dst(%dma_wait3A_231 : memref<8x4096xf32, #tpu.memory_space<hbm>>)
        %add3A_236 = arith.constant 2 : i32
        %add3A_237 = arith.addi %add3A_216, %add3A_236 : i32
        %mul3A_238 = arith.constant 8 : i32
        %mul3A_239 = arith.muli %add3A_237, %mul3A_238 : i32
        %add3A_240 = arith.addi %mul3A_2, %mul3A_239 : i32
        %dma_start3A_241 = arith.constant 1 : i32
        %dma_start3A_242 = arith.constant 1 : i32
        %dma_start3A_243 = arith.constant 0 : i32
        %dma_start3A_244 = arith.constant 0 : i32
        %dma_start3A_245 = tpu.memref_slice %arg4[%dma_start3A_241, %dma_start3A_243, %dma_start3A_244] : memref<2x8x4096xf32, #tpu.memory_space<vmem>> -> memref<1x8x4096xf32, #tpu.memory_space<vmem>>
        %dma_start3A_246 = tpu.memref_squeeze %dma_start3A_245 : memref<1x8x4096xf32, #tpu.memory_space<vmem>> -> memref<8x4096xf32, #tpu.memory_space<vmem>>
        %dma_start3A_247 = arith.constant 0 : i32
        %dma_start3A_248 = tpu.memref_slice %arg2[%add3A_240, %dma_start3A_247] : memref<16384x4096xf32, #tpu.memory_space<hbm>> -> memref<8x4096xf32, #tpu.memory_space<hbm>>
        %dma_start3A_249 = tpu.memref_slice %arg6[%dma_start3A_242] : memref<2x!tpu.dma_semaphore, #tpu.memory_space<semaphore_mem>> -> memref<1x!tpu.dma_semaphore, #tpu.memory_space<semaphore_mem>>
        %dma_start3A_250 = tpu.memref_squeeze %dma_start3A_249 : memref<1x!tpu.dma_semaphore, #tpu.memory_space<semaphore_mem>> -> memref<!tpu.dma_semaphore, #tpu.memory_space<semaphore_mem>>
        %dma_start3A_251 = arith.constant 0 : i32
        %dma_start3A_252 = arith.constant 0 : i32
        %dma_start3A_253 = tpu.memref_slice %arg4[%dma_start3A_241, %dma_start3A_251, %dma_start3A_252] : memref<2x8x4096xf32, #tpu.memory_space<vmem>> -> memref<1x8x4096xf32, #tpu.memory_space<vmem>>
        %dma_start3A_254 = tpu.memref_squeeze %dma_start3A_253 : memref<1x8x4096xf32, #tpu.memory_space<vmem>> -> memref<8x4096xf32, #tpu.memory_space<vmem>>
        %dma_start3A_255 = arith.constant 0 : i32
        %dma_start3A_256 = tpu.memref_slice %arg2[%add3A_240, %dma_start3A_255] : memref<16384x4096xf32, #tpu.memory_space<hbm>> -> memref<8x4096xf32, #tpu.memory_space<hbm>>
        tpu.enqueue_dma source(%dma_start3A_256 : memref<8x4096xf32, #tpu.memory_space<hbm>>) target(%dma_start3A_254 : memref<8x4096xf32, #tpu.memory_space<vmem>>) target_semaphore(%dma_start3A_250 : memref<!tpu.dma_semaphore, #tpu.memory_space<semaphore_mem>>)
      } else {
      }
    }
    %scan3A_41 = arith.constant 32 : i32
    %add3A_42 = arith.constant 496 : i32
    %add3A_43 = arith.addi %mul3A_2, %add3A_42 : i32
    %dma_wait3A = arith.constant 0 : i32
    %dma_wait3A_44 = arith.constant 0 : i32
    %dma_wait3A_45 = arith.constant 0 : i32
    %dma_wait3A_46 = arith.constant 0 : i32
    %dma_wait3A_47 = tpu.memref_slice %arg4[%dma_wait3A, %dma_wait3A_45, %dma_wait3A_46] : memref<2x8x4096xf32, #tpu.memory_space<vmem>> -> memref<1x8x4096xf32, #tpu.memory_space<vmem>>
    %dma_wait3A_48 = tpu.memref_squeeze %dma_wait3A_47 : memref<1x8x4096xf32, #tpu.memory_space<vmem>> -> memref<8x4096xf32, #tpu.memory_space<vmem>>
    %dma_wait3A_49 = arith.constant 0 : i32
    %dma_wait3A_50 = tpu.memref_slice %arg3[%add3A_43, %dma_wait3A_49] : memref<16384x4096xf32, #tpu.memory_space<hbm>> -> memref<8x4096xf32, #tpu.memory_space<hbm>>
    %dma_wait3A_51 = tpu.memref_slice %arg7[%dma_wait3A_44] : memref<2x!tpu.dma_semaphore, #tpu.memory_space<semaphore_mem>> -> memref<1x!tpu.dma_semaphore, #tpu.memory_space<semaphore_mem>>
    %dma_wait3A_52 = tpu.memref_squeeze %dma_wait3A_51 : memref<1x!tpu.dma_semaphore, #tpu.memory_space<semaphore_mem>> -> memref<!tpu.dma_semaphore, #tpu.memory_space<semaphore_mem>>
    %dma_wait3A_53 = arith.constant 0 : i32
    %dma_wait3A_54 = tpu.memref_slice %arg3[%add3A_43, %dma_wait3A_53] : memref<16384x4096xf32, #tpu.memory_space<hbm>> -> memref<8x4096xf32, #tpu.memory_space<hbm>>
    %dma_wait3A_55 = arith.constant 0 : i32
    %dma_wait3A_56 = arith.constant 0 : i32
    %dma_wait3A_57 = tpu.memref_slice %arg4[%dma_wait3A, %dma_wait3A_55, %dma_wait3A_56] : memref<2x8x4096xf32, #tpu.memory_space<vmem>> -> memref<1x8x4096xf32, #tpu.memory_space<vmem>>
    %dma_wait3A_58 = tpu.memref_squeeze %dma_wait3A_57 : memref<1x8x4096xf32, #tpu.memory_space<vmem>> -> memref<8x4096xf32, #tpu.memory_space<vmem>>
    tpu.wait_dma2 semaphore(%dma_wait3A_52 : memref<!tpu.dma_semaphore, #tpu.memory_space<semaphore_mem>>) src(%dma_wait3A_58 : memref<8x4096xf32, #tpu.memory_space<vmem>>) dst(%dma_wait3A_54 : memref<8x4096xf32, #tpu.memory_space<hbm>>)
    %add3A_59 = arith.constant 504 : i32
    %add3A_60 = arith.addi %mul3A_2, %add3A_59 : i32
    %dma_wait3A_61 = arith.constant 1 : i32
    %dma_wait3A_62 = arith.constant 1 : i32
    %dma_wait3A_63 = arith.constant 0 : i32
    %dma_wait3A_64 = arith.constant 0 : i32
    %dma_wait3A_65 = tpu.memref_slice %arg4[%dma_wait3A_61, %dma_wait3A_63, %dma_wait3A_64] : memref<2x8x4096xf32, #tpu.memory_space<vmem>> -> memref<1x8x4096xf32, #tpu.memory_space<vmem>>
    %dma_wait3A_66 = tpu.memref_squeeze %dma_wait3A_65 : memref<1x8x4096xf32, #tpu.memory_space<vmem>> -> memref<8x4096xf32, #tpu.memory_space<vmem>>
    %dma_wait3A_67 = arith.constant 0 : i32
    %dma_wait3A_68 = tpu.memref_slice %arg3[%add3A_60, %dma_wait3A_67] : memref<16384x4096xf32, #tpu.memory_space<hbm>> -> memref<8x4096xf32, #tpu.memory_space<hbm>>
    %dma_wait3A_69 = tpu.memref_slice %arg7[%dma_wait3A_62] : memref<2x!tpu.dma_semaphore, #tpu.memory_space<semaphore_mem>> -> memref<1x!tpu.dma_semaphore, #tpu.memory_space<semaphore_mem>>
    %dma_wait3A_70 = tpu.memref_squeeze %dma_wait3A_69 : memref<1x!tpu.dma_semaphore, #tpu.memory_space<semaphore_mem>> -> memref<!tpu.dma_semaphore, #tpu.memory_space<semaphore_mem>>
    %dma_wait3A_71 = arith.constant 0 : i32
    %dma_wait3A_72 = tpu.memref_slice %arg3[%add3A_60, %dma_wait3A_71] : memref<16384x4096xf32, #tpu.memory_space<hbm>> -> memref<8x4096xf32, #tpu.memory_space<hbm>>
    %dma_wait3A_73 = arith.constant 0 : i32
    %dma_wait3A_74 = arith.constant 0 : i32
    %dma_wait3A_75 = tpu.memref_slice %arg4[%dma_wait3A_61, %dma_wait3A_73, %dma_wait3A_74] : memref<2x8x4096xf32, #tpu.memory_space<vmem>> -> memref<1x8x4096xf32, #tpu.memory_space<vmem>>
    %dma_wait3A_76 = tpu.memref_squeeze %dma_wait3A_75 : memref<1x8x4096xf32, #tpu.memory_space<vmem>> -> memref<8x4096xf32, #tpu.memory_space<vmem>>
    tpu.wait_dma2 semaphore(%dma_wait3A_70 : memref<!tpu.dma_semaphore, #tpu.memory_space<semaphore_mem>>) src(%dma_wait3A_76 : memref<8x4096xf32, #tpu.memory_space<vmem>>) dst(%dma_wait3A_72 : memref<8x4096xf32, #tpu.memory_space<hbm>>)
    %iota3A = tpu.iota {dimensions = array<i32: 0>} : vector<16xi32>
    %eq3A = arith.constant 0 : i32
    %eq3A_77 = arith.cmpi eq, %add3A, %eq3A : i32
    %convert_element_type3A = arith.extui %eq3A_77 : i1 to i32
    %cond3A = arith.constant 0 : i32
    %cond3A_78 = arith.cmpi ne, %convert_element_type3A, %cond3A : i32
    scf.if %cond3A_78 {
      %run_scoped3A = arith.constant 0 : i32
      "tpu.region"() ({
        %run_scoped3A_93 = tpu.sem_alloc : memref<!tpu.dma_semaphore, #tpu.memory_space<semaphore_mem>>
        %dma_start3A_94 = arith.constant 4080 : i32
        %dma_start3A_95 = tpu.memref_slice %arg3[%run_scoped3A, %dma_start3A_94] : memref<16384x4096xf32, #tpu.memory_space<hbm>> -> memref<1x16xf32, #tpu.memory_space<hbm>>
        %dma_start3A_96 = tpu.memref_squeeze %dma_start3A_95 : memref<1x16xf32, #tpu.memory_space<hbm>> -> memref<16xf32, #tpu.memory_space<hbm>>
        %dma_start3A_97 = arith.constant 4080 : i32
        %dma_start3A_98 = tpu.memref_slice %arg3[%run_scoped3A, %dma_start3A_97] : memref<16384x4096xf32, #tpu.memory_space<hbm>> -> memref<1x16xf32, #tpu.memory_space<hbm>>
        %dma_start3A_99 = tpu.memref_squeeze %dma_start3A_98 : memref<1x16xf32, #tpu.memory_space<hbm>> -> memref<16xf32, #tpu.memory_space<hbm>>
        tpu.enqueue_dma source(%dma_start3A_99 : memref<16xf32, #tpu.memory_space<hbm>>) target(%arg5 : memref<16xf32, #tpu.memory_space<vmem>>) target_semaphore(%run_scoped3A_93 : memref<!tpu.dma_semaphore, #tpu.memory_space<semaphore_mem>>)
        %dma_wait3A_100 = arith.constant 4080 : i32
        %dma_wait3A_101 = tpu.memref_slice %arg3[%run_scoped3A, %dma_wait3A_100] : memref<16384x4096xf32, #tpu.memory_space<hbm>> -> memref<1x16xf32, #tpu.memory_space<hbm>>
        %dma_wait3A_102 = tpu.memref_squeeze %dma_wait3A_101 : memref<1x16xf32, #tpu.memory_space<hbm>> -> memref<16xf32, #tpu.memory_space<hbm>>
        %dma_wait3A_103 = arith.constant 4080 : i32
        %dma_wait3A_104 = tpu.memref_slice %arg3[%run_scoped3A, %dma_wait3A_103] : memref<16384x4096xf32, #tpu.memory_space<hbm>> -> memref<1x16xf32, #tpu.memory_space<hbm>>
        %dma_wait3A_105 = tpu.memref_squeeze %dma_wait3A_104 : memref<1x16xf32, #tpu.memory_space<hbm>> -> memref<16xf32, #tpu.memory_space<hbm>>
        tpu.wait_dma2 semaphore(%run_scoped3A_93 : memref<!tpu.dma_semaphore, #tpu.memory_space<semaphore_mem>>) src(%dma_wait3A_105 : memref<16xf32, #tpu.memory_space<hbm>>) dst(%arg5 : memref<16xf32, #tpu.memory_space<vmem>>)
        tpu.yield
      }) : () -> ()
      %eq3A_84 = arith.constant 14 : i32
      %eq3A_85 = vector.broadcast %eq3A_84 : i32 to vector<16xi32>
      %eq3A_86 = arith.cmpi eq, %iota3A, %eq3A_85 : vector<16xi32>
      %get3A = arith.constant 0 : index
      %get3A_87 = tpu.vector_load %arg5[%get3A] {strides = array<i32>} : memref<16xf32, #tpu.memory_space<vmem>>, vector<16xf32>,
      %get3A_88 = vector.shape_cast %get3A_87 : vector<16xf32> to vector<16xf32>
      %jit3A = arith.constant 1.000000e+00 : f32
      %broadcast_in_dim3A = vector.broadcast %jit3A : f32 to vector<16xf32>
      %select_n3A = arith.select %eq3A_86, %broadcast_in_dim3A, %get3A_88 : vector<16xi1>, vector<16xf32>
      %swap3A = arith.constant 0 : index
      %swap3A_89 = tpu.vector_load %arg5[%swap3A] {strides = array<i32>} : memref<16xf32, #tpu.memory_space<vmem>>, vector<16xf32>,
      %swap3A_90 = vector.shape_cast %swap3A_89 : vector<16xf32> to vector<16xf32>
      %swap3A_91 = vector.shape_cast %select_n3A : vector<16xf32> to vector<16xf32>
      tpu.vector_store %arg5[%swap3A], %swap3A_91 {strides = array<i32>} : memref<16xf32, #tpu.memory_space<vmem>>, vector<16xf32>,
      %run_scoped3A_92 = arith.constant 0 : i32
      "tpu.region"() ({
        %run_scoped3A_93 = tpu.sem_alloc : memref<!tpu.dma_semaphore, #tpu.memory_space<semaphore_mem>>
        %dma_start3A_94 = arith.constant 4080 : i32
        %dma_start3A_95 = tpu.memref_slice %arg3[%run_scoped3A_92, %dma_start3A_94] : memref<16384x4096xf32, #tpu.memory_space<hbm>> -> memref<1x16xf32, #tpu.memory_space<hbm>>
        %dma_start3A_96 = tpu.memref_squeeze %dma_start3A_95 : memref<1x16xf32, #tpu.memory_space<hbm>> -> memref<16xf32, #tpu.memory_space<hbm>>
        %dma_start3A_97 = arith.constant 4080 : i32
        %dma_start3A_98 = tpu.memref_slice %arg3[%run_scoped3A_92, %dma_start3A_97] : memref<16384x4096xf32, #tpu.memory_space<hbm>> -> memref<1x16xf32, #tpu.memory_space<hbm>>
        %dma_start3A_99 = tpu.memref_squeeze %dma_start3A_98 : memref<1x16xf32, #tpu.memory_space<hbm>> -> memref<16xf32, #tpu.memory_space<hbm>>
        tpu.enqueue_dma source(%arg5 : memref<16xf32, #tpu.memory_space<vmem>>) target(%dma_start3A_99 : memref<16xf32, #tpu.memory_space<hbm>>) target_semaphore(%run_scoped3A_93 : memref<!tpu.dma_semaphore, #tpu.memory_space<semaphore_mem>>)
        %dma_wait3A_100 = arith.constant 4080 : i32
        %dma_wait3A_101 = tpu.memref_slice %arg3[%run_scoped3A_92, %dma_wait3A_100] : memref<16384x4096xf32, #tpu.memory_space<hbm>> -> memref<1x16xf32, #tpu.memory_space<hbm>>
        %dma_wait3A_102 = tpu.memref_squeeze %dma_wait3A_101 : memref<1x16xf32, #tpu.memory_space<hbm>> -> memref<16xf32, #tpu.memory_space<hbm>>
        %dma_wait3A_103 = arith.constant 4080 : i32
        %dma_wait3A_104 = tpu.memref_slice %arg3[%run_scoped3A_92, %dma_wait3A_103] : memref<16384x4096xf32, #tpu.memory_space<hbm>> -> memref<1x16xf32, #tpu.memory_space<hbm>>
        %dma_wait3A_105 = tpu.memref_squeeze %dma_wait3A_104 : memref<1x16xf32, #tpu.memory_space<hbm>> -> memref<16xf32, #tpu.memory_space<hbm>>
        tpu.wait_dma2 semaphore(%run_scoped3A_93 : memref<!tpu.dma_semaphore, #tpu.memory_space<semaphore_mem>>) src(%arg5 : memref<16xf32, #tpu.memory_space<vmem>>) dst(%dma_wait3A_105 : memref<16xf32, #tpu.memory_space<hbm>>)
        tpu.yield
      }) : () -> ()
    } else {
    }
    %eq3A_79 = arith.constant 31 : i32
    %eq3A_80 = arith.cmpi eq, %add3A, %eq3A_79 : i32
    %convert_element_type3A_81 = arith.extui %eq3A_80 : i1 to i32
    %cond3A_82 = arith.constant 0 : i32
    %cond3A_83 = arith.cmpi ne, %convert_element_type3A_81, %cond3A_82 : i32
    scf.if %cond3A_83 {
      %run_scoped3A = arith.constant 16383 : i32
      "tpu.region"() ({
        %run_scoped3A_93 = tpu.sem_alloc : memref<!tpu.dma_semaphore, #tpu.memory_space<semaphore_mem>>
        %dma_start3A_94 = arith.constant 0 : i32
        %dma_start3A_95 = tpu.memref_slice %arg3[%run_scoped3A, %dma_start3A_94] : memref<16384x4096xf32, #tpu.memory_space<hbm>> -> memref<1x16xf32, #tpu.memory_space<hbm>>
        %dma_start3A_96 = tpu.memref_squeeze %dma_start3A_95 : memref<1x16xf32, #tpu.memory_space<hbm>> -> memref<16xf32, #tpu.memory_space<hbm>>
        %dma_start3A_97 = arith.constant 0 : i32
        %dma_start3A_98 = tpu.memref_slice %arg3[%run_scoped3A, %dma_start3A_97] : memref<16384x4096xf32, #tpu.memory_space<hbm>> -> memref<1x16xf32, #tpu.memory_space<hbm>>
        %dma_start3A_99 = tpu.memref_squeeze %dma_start3A_98 : memref<1x16xf32, #tpu.memory_space<hbm>> -> memref<16xf32, #tpu.memory_space<hbm>>
        tpu.enqueue_dma source(%dma_start3A_99 : memref<16xf32, #tpu.memory_space<hbm>>) target(%arg5 : memref<16xf32, #tpu.memory_space<vmem>>) target_semaphore(%run_scoped3A_93 : memref<!tpu.dma_semaphore, #tpu.memory_space<semaphore_mem>>)
        %dma_wait3A_100 = arith.constant 0 : i32
        %dma_wait3A_101 = tpu.memref_slice %arg3[%run_scoped3A, %dma_wait3A_100] : memref<16384x4096xf32, #tpu.memory_space<hbm>> -> memref<1x16xf32, #tpu.memory_space<hbm>>
        %dma_wait3A_102 = tpu.memref_squeeze %dma_wait3A_101 : memref<1x16xf32, #tpu.memory_space<hbm>> -> memref<16xf32, #tpu.memory_space<hbm>>
        %dma_wait3A_103 = arith.constant 0 : i32
        %dma_wait3A_104 = tpu.memref_slice %arg3[%run_scoped3A, %dma_wait3A_103] : memref<16384x4096xf32, #tpu.memory_space<hbm>> -> memref<1x16xf32, #tpu.memory_space<hbm>>
        %dma_wait3A_105 = tpu.memref_squeeze %dma_wait3A_104 : memref<1x16xf32, #tpu.memory_space<hbm>> -> memref<16xf32, #tpu.memory_space<hbm>>
        tpu.wait_dma2 semaphore(%run_scoped3A_93 : memref<!tpu.dma_semaphore, #tpu.memory_space<semaphore_mem>>) src(%dma_wait3A_105 : memref<16xf32, #tpu.memory_space<hbm>>) dst(%arg5 : memref<16xf32, #tpu.memory_space<vmem>>)
        tpu.yield
      }) : () -> ()
      %eq3A_84 = arith.constant 1 : i32
      %eq3A_85 = vector.broadcast %eq3A_84 : i32 to vector<16xi32>
      %eq3A_86 = arith.cmpi eq, %iota3A, %eq3A_85 : vector<16xi32>
      %get3A = arith.constant 0 : index
      %get3A_87 = tpu.vector_load %arg5[%get3A] {strides = array<i32>} : memref<16xf32, #tpu.memory_space<vmem>>, vector<16xf32>,
      %get3A_88 = vector.shape_cast %get3A_87 : vector<16xf32> to vector<16xf32>
      %jit3A = arith.constant 5.000000e+00 : f32
      %broadcast_in_dim3A = vector.broadcast %jit3A : f32 to vector<16xf32>
      %select_n3A = arith.select %eq3A_86, %broadcast_in_dim3A, %get3A_88 : vector<16xi1>, vector<16xf32>
      %swap3A = arith.constant 0 : index
      %swap3A_89 = tpu.vector_load %arg5[%swap3A] {strides = array<i32>} : memref<16xf32, #tpu.memory_space<vmem>>, vector<16xf32>,
      %swap3A_90 = vector.shape_cast %swap3A_89 : vector<16xf32> to vector<16xf32>
      %swap3A_91 = vector.shape_cast %select_n3A : vector<16xf32> to vector<16xf32>
      tpu.vector_store %arg5[%swap3A], %swap3A_91 {strides = array<i32>} : memref<16xf32, #tpu.memory_space<vmem>>, vector<16xf32>,
      %run_scoped3A_92 = arith.constant 16383 : i32
      "tpu.region"() ({
        %run_scoped3A_93 = tpu.sem_alloc : memref<!tpu.dma_semaphore, #tpu.memory_space<semaphore_mem>>
        %dma_start3A_94 = arith.constant 0 : i32
        %dma_start3A_95 = tpu.memref_slice %arg3[%run_scoped3A_92, %dma_start3A_94] : memref<16384x4096xf32, #tpu.memory_space<hbm>> -> memref<1x16xf32, #tpu.memory_space<hbm>>
        %dma_start3A_96 = tpu.memref_squeeze %dma_start3A_95 : memref<1x16xf32, #tpu.memory_space<hbm>> -> memref<16xf32, #tpu.memory_space<hbm>>
        %dma_start3A_97 = arith.constant 0 : i32
        %dma_start3A_98 = tpu.memref_slice %arg3[%run_scoped3A_92, %dma_start3A_97] : memref<16384x4096xf32, #tpu.memory_space<hbm>> -> memref<1x16xf32, #tpu.memory_space<hbm>>
        %dma_start3A_99 = tpu.memref_squeeze %dma_start3A_98 : memref<1x16xf32, #tpu.memory_space<hbm>> -> memref<16xf32, #tpu.memory_space<hbm>>
        tpu.enqueue_dma source(%arg5 : memref<16xf32, #tpu.memory_space<vmem>>) target(%dma_start3A_99 : memref<16xf32, #tpu.memory_space<hbm>>) target_semaphore(%run_scoped3A_93 : memref<!tpu.dma_semaphore, #tpu.memory_space<semaphore_mem>>)
        %dma_wait3A_100 = arith.constant 0 : i32
        %dma_wait3A_101 = tpu.memref_slice %arg3[%run_scoped3A_92, %dma_wait3A_100] : memref<16384x4096xf32, #tpu.memory_space<hbm>> -> memref<1x16xf32, #tpu.memory_space<hbm>>
        %dma_wait3A_102 = tpu.memref_squeeze %dma_wait3A_101 : memref<1x16xf32, #tpu.memory_space<hbm>> -> memref<16xf32, #tpu.memory_space<hbm>>
        %dma_wait3A_103 = arith.constant 0 : i32
        %dma_wait3A_104 = tpu.memref_slice %arg3[%run_scoped3A_92, %dma_wait3A_103] : memref<16384x4096xf32, #tpu.memory_space<hbm>> -> memref<1x16xf32, #tpu.memory_space<hbm>>
        %dma_wait3A_105 = tpu.memref_squeeze %dma_wait3A_104 : memref<1x16xf32, #tpu.memory_space<hbm>> -> memref<16xf32, #tpu.memory_space<hbm>>
        tpu.wait_dma2 semaphore(%run_scoped3A_93 : memref<!tpu.dma_semaphore, #tpu.memory_space<semaphore_mem>>) src(%arg5 : memref<16xf32, #tpu.memory_space<vmem>>) dst(%dma_wait3A_105 : memref<16xf32, #tpu.memory_space<hbm>>)
        tpu.yield
      }) : () -> ()
    } else {
    }
    return
  }
}

</mosaic_0001>

<sc_bundles>
// kernel: kernel.3.cloned.1.call-start
scs
__scs_entry_jumppad:
0x0: {  	(pc) =	sbr.rel $0x88, $3  }
0x1: {  	(tag) =	ssettag $0x0;
	lr =	simm.s32 $0x1  }
0x2: {  	[smem:$0x3FA0] =	sst lr;
	_ =	strace $0xD0000000  }
0x3: {  	_ = 	snop  }
0x4: {  	_ = 	snop  }
0x5: {  	_ = 	snop  }
0x6: {  	_ = 	snop  }
0x7: {  	_ = 	snop  }
__scs_overlays_trampoline_lowered:
0x8: {  	[smem:$0x3FAF] =	sst s0  }
0x9: {  	[smem:$0x3FB0] =	sst s1  }
0xa: {  	[smem:$0x3FB1] =	sst s2  }
0xb: {  	[smem:$0x3FB2] =	sst s3  }
0xc: {  	[smem:$0x3FB3] =	sst s4  }
0xd: {  	[smem:$0x3FB4] =	sst s5  }
0xe: {  	[smem:$0x3FB5] =	sst s6  }
0xf: {  	[smem:$0x3FB6] =	sst s7  }
0x10: {  	[smem:$0x3FB7] =	sst s8  }
0x11: {  	[smem:$0x3FB8] =	sst s9;
	s0 =	simm.s32 @!p0 $0x0  }
0x12: {  	s1 =	sld [smem:$0x3F9E];
	s0 =	simm.s32 @p0 $0x1  }
0x13: {  	[smem:$0x3FB9] =	sst s0;
	s0 =	simm.s32 @!p1 $0x0  }
0x14: {  	s2 =	sld [smem:$0x3F9D];
	s0 =	simm.s32 @p1 $0x1  }
0x15: {  	[smem:$0x3FBA] =	sst s0;
	s0 =	simm.s32 @!p2 $0x0  }
0x16: {  	s3 =	sld [smem:$0x3FDB];
	s0 =	simm.s32 @p2 $0x1  }
0x17: {  	s4 =	simm.s32 $0x1BF5;
	[smem:$0x3FBC] =	sst s0  }
0x18: {  	s0 =	sld [smem:$0x3F9F];
	_ =	swait.ge [sflag:s4], $0x0  }
0x19: {  	s7 =	sld [smem:$0x3FA0]  }
0x1a: {  	s8 =	sadd.s32 $0xFFFFE003, lr  }
0x1b: {  	s9 =	sadd.s32 $0xFFFFFEF7, lr;
	s5 =	simm.s32 $0xFFFFFFFF;
	p2 =	slt.u32 s8, $0xFFFFF086  }
0x1c: {  	p1 =	slt.u32 s9, $0xF7A;
	s5 =	simm.s32 @!p2 $0x0  }
0x1d: {  	s5 =	simm.s32 @p1 $0x1;
	p0 =	seq.s32 s7, s2  }
0x1e: {  	s7 =	smul.u32 @!p0 $0xF7A, s2;
	p2 =	seq.s32 @!p0 s5, $0x0  }
0x1f: {  	s9 =	smul.u32 $0xF7A, s1;
	s8 =	simm.s32 @!p0 $0x1BF5;
	p2 =	por !p2, p0  }
0x20: {  	[sflag:s8] =	ssyncset.s32 @!p0 $0xFFFFF086;
	s6 =	sadd.s32 @!p0 s3, s7;
	s7 =	simm.s32 @!p0 $0x108  }
0x21: {  	s3 =	sadd.s32 s3, s9;
	s6 =	sadd.s32 @!p0 $0x88, s6;
	s7 =	simm.s32 @p2 $0x1082  }
0x22: {  	[simem:s7], [sflag:s8] =	dma.local @!p0 [hbm:s6], $0xF7A  }
0x23: {  	s9 =	sor.u32 $0xD0000000, s2;
	s6 =	simm.s32 $0x108;
	_ =	swait.ge @!p0 [sflag:s8], $0x0  }
0x24: {  	s3 =	sadd.s32 $0x88, s3;
	s6 =	simm.s32 @!p1 $0x1082;
	[sflag:s4] =	ssyncset.s32 $0xFFFFF086  }
0x25: {  	[simem:s6], [sflag:s4] =	dma.local [hbm:s3], $0xF7A  }
0x26: {  	[smem:$0x3FA0] =	sst s1;
	(tag) =	ssettag s2;
	_ =	strace s9  }
0x27: {  	s1 =	sld [smem:$0x3FB0]  }
0x28: {  	s2 =	sld [smem:$0x3FB1]  }
0x29: {  	s4 =	sld [smem:$0x3FB3]  }
0x2a: {  	p0 =	seq.s32 s5, $0x0;
	s5 =	sld [smem:$0x3FB4]  }
0x2b: {  	s6 =	sld [smem:$0x3FB5]  }
0x2c: {  	s7 =	sld [smem:$0x3FB6]  }
0x2d: {  	s3 =	simm.s32 $0x108;
	s8 =	sld [smem:$0x3FB7]  }
0x2e: {  	s3 =	simm.s32 @!p0 $0x1082;
	s9 =	sld [smem:$0x3FB8]  }
0x2f: {  	lr =	sadd.s32 s0, s3;
	s0 =	sld [smem:$0x3FAF]  }
0x30: {  	s3 =	sld [smem:$0x3FB2]  }
0x31: {  	[smem:$0x3FBB] =	sst s10  }
0x32: {  	s10 =	sld [smem:$0x3FB9];
	_ =	sdelay $0x3  }
0x33: {  	p0 =	seq.s32 s10, $0x1;
	s10 =	sld [smem:$0x3FBB];
	_ =	sdelay $0x3  }
0x34: {  	[smem:$0x3FBB] =	sst s10  }
0x35: {  	s10 =	sld [smem:$0x3FBA];
	_ =	sdelay $0x3  }
0x36: {  	p1 =	seq.s32 s10, $0x1;
	s10 =	sld [smem:$0x3FBB];
	_ =	sdelay $0x3  }
0x37: {  	[smem:$0x3FBB] =	sst s10  }
0x38: {  	s10 =	sld [smem:$0x3FBC]  }
0x39: {  	_ = 	snop;
	(pc) =	sbr.ind lr, $3  }
0x3a: {  	_ = 	snop  }
0x3b: {  	_ = 	snop  }
0x3c: {  	p2 =	seq.s32 s10, $0x1;
	s10 =	sld [smem:$0x3FBB]  }
0x3d: {  	_ =	shalt  }
0x3e: {  	_ =	shalt  }
0x3f: {  	_ =	shalt  }
0x40: {  	_ =	shalt  }
0x41: {  	_ =	shalt  }
0x42: {  	_ =	shalt  }
0x43: {  	_ =	shalt  }
0x44: {  	_ =	shalt  }
0x45: {  	_ =	shalt  }
0x46: {  	_ =	shalt  }
0x47: {  	_ =	shalt  }
0x48: {  	_ =	shalt  }
0x49: {  	_ =	shalt  }
0x4a: {  	_ =	shalt  }
0x4b: {  	_ =	shalt  }
0x4c: {  	_ =	shalt  }
0x4d: {  	_ =	shalt  }
0x4e: {  	_ =	shalt  }
0x4f: {  	_ =	shalt  }
0x50: {  	_ =	shalt  }
0x51: {  	_ =	shalt  }
0x52: {  	_ =	shalt  }
0x53: {  	_ =	shalt  }
0x54: {  	_ =	shalt  }
0x55: {  	_ =	shalt  }
0x56: {  	_ =	shalt  }
0x57: {  	_ =	shalt  }
0x58: {  	_ =	shalt  }
0x59: {  	_ =	shalt  }
0x5a: {  	_ =	shalt  }
0x5b: {  	_ =	shalt  }
0x5c: {  	_ =	shalt  }
0x5d: {  	_ =	shalt  }
0x5e: {  	_ =	shalt  }
0x5f: {  	_ =	shalt  }
0x60: {  	_ =	shalt  }
0x61: {  	_ =	shalt  }
0x62: {  	_ =	shalt  }
0x63: {  	_ =	shalt  }
0x64: {  	_ =	shalt  }
0x65: {  	_ =	shalt  }
0x66: {  	_ =	shalt  }
0x67: {  	_ =	shalt  }
0x68: {  	_ =	shalt  }
0x69: {  	_ =	shalt  }
0x6a: {  	_ =	shalt  }
0x6b: {  	_ =	shalt  }
0x6c: {  	_ =	shalt  }
0x6d: {  	_ =	shalt  }
0x6e: {  	_ =	shalt  }
0x6f: {  	_ =	shalt  }
0x70: {  	_ =	shalt  }
0x71: {  	_ =	shalt  }
0x72: {  	_ =	shalt  }
0x73: {  	_ =	shalt  }
0x74: {  	_ =	shalt  }
0x75: {  	_ =	shalt  }
0x76: {  	_ =	shalt  }
0x77: {  	_ =	shalt  }
0x78: {  	_ =	shalt  }
0x79: {  	_ =	shalt  }
0x7a: {  	_ =	shalt  }
0x7b: {  	_ =	shalt  }
0x7c: {  	_ =	shalt  }
0x7d: {  	_ =	shalt  }
0x7e: {  	_ =	shalt  }
0x7f: {  	_ =	shalt  }
0x80: {  	_ =	shalt  }
0x81: {  	_ =	shalt  }
0x82: {  	_ =	shalt  }
0x83: {  	_ =	shalt  }
0x84: {  	_ =	shalt  }
0x85: {  	_ =	shalt  }
0x86: {  	_ =	shalt  }
0x87: {  	_ =	shalt  }
.Lfunc_end0:
.L_simem_size_0:
called_computation_lowered:
.L_overlay_start_0:
0x88: {  	s2 =	sld [smem:$0x3FD9]  }
0x89: {  	s3 =	sld [smem:$0x3FFE];
	_ =	sdelay $0x1  }
0x8a: {  	s1 =	srdreg.scid  }
0x8b: {  	s0 =	sand.u32 $0x1, s1  }
0x8c: {  	s18 =	sshll.u32 s0, $0xA;
	s2 =	sadd.s32 s3, s2  }
0x8d: {  	s2 =	sadd.s32 s2, s18  }
0x8e: {  	[smem:$0x3FC7] =	sst s2  }
0x8f: {  	_ = 	snop  }
0x90: {  	s2 =	sld [smem:$0x3FC9]  }
0x91: {  	s19 =	sld [smem:$0x3FD0];
	(tm) =	ssettm $0x1  }
0x92: {  	s4 =	sld [smem:$0x3FFB];
	_ =	sdelay $0x3  }
0x93: {  	_ =	strace s4  }
0x94: {  	s4 =	sld [smem:$0x3FFC];
	_ =	sdelay $0x3  }
0x95: {  	_ =	strace s4  }
0x96: {  	s4 =	sld [smem:$0x3FFD];
	_ =	sdelay $0x3  }
0x97: {  	_ =	strace s4  }
0x98: {  	_ =	strace $0x8FFFFFFF  }
0x99: {  	s20 =	sld [smem:$0x3FDB];
	_ =	sdelay $0x1  }
0x9a: {  	s5 =	simm.s32 $_scs_section_size  }
0x9b: {  	s6 =	simm.s32 $_size__tile_overlayer_lowered;
	s7 =	simm.s32 $_tile_overlayer_lowered  }
0x9c: {  	s23 =	simm.s32 $0x1BFF;
	s22 =	sshll.u32 s7, $0x1;
	s4 =	sadd.s32 s5, s20  }
0x9d: {  	s8 =	simm.s32 $0x0;
	s21 =	sshll.u32 s6, $0x1;
	s6 =	sadd.s32 s22, s4  }
0x9e: {  	[timem:s8], [sflag:s23] =	dma.local [hbm:s6], s21  }
0x9f: {  	_ =	swait.ge [sflag:s23], s21  }
0xa0: {  	s5 =	ssub.s32 $0x0, s21;
	[sflag:s23] =	ssyncset.done $0x0  }
0xa1: {  	[sflag:s23] =	ssyncadd.s32 s5;
	_ =	sdelay $0x1  }
0xa2: {  	s24 =	simm.s32 $0x1B8B  }
0xa3: {  	_ =	swait.ge [sflag:s24], $0x1  }
0xa4: {  	[sflag:s24] =	ssyncset.done $0x0  }
0xa5: {  	s25 =	simm.s32 $0x1B8E;
	[sflag:s24] =	ssyncadd.s32 $0xFFFFFFFF  }
0xa6: {  	s26 =	simm.s32 $execute0_lowered;
	[smem:$0x3FD2] =	sst s25  }
0xa7: {  	s5 =	sshll.u32 s26, $0x1;
	_ =	strace $0x80000046;
	[dreg:$0x1] =	wrdreg $0xFFFFFFFF  }
0xa8: {  	s28 =	simm.s32 $_size_execute0_lowered;
	s4 =	sadd.s32 s4, s5;
	[dreg:$0x0] =	wrdreg $0x0  }
0xa9: {  	s5 =	sshll.u32 s28, $0x1;
	[dreg:$0x2] =	wrdreg s4  }
0xaa: {  	[dreg:$0x3] =	wrdreg s5  }
0xab: {  	[dreg:$0x4] =	wrdreg $0xC0  }
0xac: {  	_ =	task [dreg:s8], $0x5FFFF  }
0xad: {  	[dreg:$0x1] =	wrdreg $0xFFFFFFFF  }
0xae: {  	[dreg:$0x0] =	wrdreg $0x60  }
0xaf: {  	[dreg:$0x2] =	wrdreg s2  }
0xb0: {  	[dreg:$0x3] =	wrdreg s19  }
0xb1: {  	[dreg:$0x4] =	wrdreg $0x9  }
0xb2: {  	_ =	task.clear_ibuf [dreg:s8], $0x5FFFF;
	_ =	strace $0x90000046  }
0xb3: {  	s29 =	simm.s32 $0x9;
	_ =	strace $0x80000048  }
0xb4: {  	_ =	swait.ge [sflag:s29], $0x1  }
0xb5: {  	[sflag:s29] =	ssyncadd.s32 $0xFFFFFFFF  }
0xb6: {  	_ =	strace $0x90000048  }
0xb7: {  	_ =	sfence  }
0xb8: {  	s30 =	sld [smem:$0x0];
	_ =	sdelay $0x2  }
0xb9: {  	s31 =	sshll.u32 s1, $0xD;
	s1 =	sshrl.u32 s1, $0x2  }
0xba: {  	s3 =	sand.u32 $0x4000, s31;
	s1 =	sadd.s32 s1, s30  }
0xbb: {  	s0 =	sor.u32 s3, s0;
	s1 =	sshll.u32 s1, $0x11  }
0xbc: {  	s0 =	sor.u32 s1, s0  }
0xbd: {  	s0 =	sadd.s32 $0x8F2B, s0  }
0xbe: {  	[sflag:s0] =	ssyncadd.remote.s32 $0x1  }
0xbf: {  	_ =	sfence.sel $0xFFFF  }
0xc0: {  	[dreg:$0x0] =	wrdreg $0xFFFFFFFF;
	(pc) =	sbr.abs _section_cstart, $3  }
0xc1: {  	[dreg:$0x1] =	wrdreg $0xFFFFFFFF  }
0xc2: {  	_ =	task.clear_ibuf [dreg:s8], $0x2FFFF;
	_ =	strace $0x9FFFFFFF  }
0xc3: {  	(tm) =	ssettm $0x7FFFFFFF  }
tec
execute0_lowered:
.L_overlay_start_1:
0x0: {  	(tag) =	ssettag $0x1  }
0x1: {  	s10 =	rddreg [dreg:$0x0];
	s1 =	srdreg.scid  }
0x2: {  	s0 =	stileid.u32;
	s11 =	rddreg [dreg:$0x1]  }
0x3: {  	s2 =	simm.s32 $0x0;
	s14 =	simm.s32 $0x2;
	s15 =	simm.s32 $0x3  }
0x4: {  	s16 =	simm.s32 $0x4;
	s17 =	simm.s32 $0x10000;
	s18 =	simm.s32 $0x5  }
0x5: {  	s12 =	sand.u32 $0x1, s1;
	s3 =	sshll.u32 s0, $0x1;
	s1 =	rddreg [dreg:$0x2]  }
0x6: {  	[smem:$0x7FF] =	sst s2;
	s13 =	sshll.u32 s0, $0x13;
	s19 =	sor.u32 s12, s3  }
0x7: {  	s4 =	ssub.s32 $0x2, s12;
	_ =	strace $0x80000047;
	s12 =	sshll.u32 s12, $0x12  }
0x8: {  	s5 =	sshll.u32 s19, $0x12;
	s6 =	sshrl.u32 s4, $0x1;
	p0 =	seq.s32 s19, $0x1F  }
0x9: {  	p1 =	sne.s32 s19, $0x0;
	s19 =	simm.s32 $0x0;
	s3 =	sadd.s32 s10, s5  }
.Ltmp0:
0xa: {  	s7 =	ssub.s32 s4, s6;
	s9 =	sadd.s32 s11, s5;
	(pc) =	sbr.rel .LBB2_1-.Ltmp0, $4  }
0xb: {  	s5 =	sadd.s32 $0x7FF070, s11;
	s6 =	sadd.s32 $0xF8E, s11;
	s10 =	sadd.s32 s13, s10  }
0xc: {  	s11 =	sadd.s32 s13, s11;
	s13 =	simm.s32 $0x1;
	s4 =	sadd.s32 $0x1000, s3  }
0xd: {  	s7 =	smax.u32 s7, $0x1;
	s8 =	sadd.s32 $0x3E000, s9;
	s9 =	sadd.s32 $0x3F000, s9  }
0xe: {  	v0 =	vlaneseq.u32;
	s10 =	sadd.s32 s12, s10;
	s11 =	sadd.s32 s12, s11;
	s12 =	simm.s32 $0x8000  }
.LBB2_6:
0xf: {  	[tilespmem:s17], [sflag:$0x5] =	stream.linear.gather [hbm4b:s5+s2], $0x10, $0x38;
	[tilespmem:$0x10080] =	vst v63  }
0x10: {  	_ =	swait.ge [sflag:s18], $0x10  }
0x11: {  	[sflag:s18] =	ssyncset.done $0x0  }
0x12: {  	[sflag:s18] =	ssyncadd.s32 $0xFFFFFFF0  }
0x13: {  	v1 =	vld [tilespmem:$0x10000];
	_ =	sdelay $0x3  }
0x14: {  	vm0 =	veq.s32 v0, $0x1  }
0x15: {  	v1 =	vsel vm0, $0x40A00000, v1  }
0x16: {  	[tilespmem:$0x10000] =	vst v1  }
0x17: {  	[hbm4b:s5+s2] =	stream.linear.scatter [tilespmem:s17], [sflag:$0x5], $0x10, $0x38;
	[tilespmem:$0x10080] =	vst v63  }
.LBB2_7:
0x18: {  	_ =	swait.ge [sflag:s18], $0x10  }
0x19: {  	[sflag:s18] =	ssyncset.done $0x0  }
0x1a: {  	[sflag:s18] =	ssyncadd.s32 $0xFFFFFFF0  }
.LBB2_8:
0x1b: {  	s19 =	sadd.s32 $0x1, s19  }
0x1c: {  	p2 =	sne.s32 s19, s7  }
.Ltmp1:
0x1d: {  	_ = 	snop;
	(pc) =	sbr.rel @!p2 .LBB2_9-.Ltmp1, $1  }
0x1e: {  	_ =	sdelay $0x3  }
.LBB2_1:
0x1f: {  	[tilespmem:s2], [sflag:$0x1] =	stream.linear.gather [hbm4b:s3+s2], $0x8000, $0x38;
	[tilespmem:$0x10080] =	vst v63  }
0x20: {  	_ = 	snop  }
0x21: {  	[tilespmem:s12], [sflag:$0x2] =	stream.linear.gather [hbm4b:s4+s2], $0x8000, $0x38;
	[tilespmem:$0x10080] =	vst v63  }
0x22: {  	_ =	swait.ge [sflag:s13], $0x8000  }
0x23: {  	[sflag:s13] =	ssyncset.done $0x0  }
0x24: {  	s20 =	sadd.s32 $0x0, s11;
	[sflag:s13] =	ssyncadd.s32 $0xFFFF8000  }
0x25: {  	[hbm4b:s20+s2] =	stream.linear.scatter [tilespmem:s2], [sflag:$0x3], $0x8000, $0x38;
	[tilespmem:$0x10080] =	vst v63  }
0x26: {  	_ =	swait.ge [sflag:s14], $0x8000  }
0x27: {  	[sflag:s14] =	ssyncset.done $0x0  }
0x28: {  	s20 =	sadd.s32 $0x1000, s20;
	[sflag:s14] =	ssyncadd.s32 $0xFFFF8000  }
0x29: {  	[hbm4b:s20+s2] =	stream.linear.scatter [tilespmem:s12], [sflag:$0x4], $0x8000, $0x38;
	[tilespmem:$0x10080] =	vst v63  }
0x2a: {  	_ =	swait.ge [sflag:s15], $0x8000  }
0x2b: {  	s21 =	sadd.s32 $0x0, s10;
	[sflag:s15] =	ssyncset.done $0x0  }
0x2c: {  	s31 =	sadd.s32 $0x2000, s21;
	[sflag:s15] =	ssyncadd.s32 $0xFFFF8000  }
0x2d: {  	[tilespmem:s2], [sflag:$0x1] =	stream.linear.gather [hbm4b:s31+s2], $0x8000, $0x38;
	[tilespmem:$0x10080] =	vst v63  }
0x2e: {  	_ =	swait.ge [sflag:s16], $0x8000  }
0x2f: {  	[sflag:s16] =	ssyncset.done $0x0  }
0x30: {  	s21 =	sadd.s32 $0x3000, s21;
	s20 =	simm.s32 $0x2000;
	[sflag:s16] =	ssyncadd.s32 $0xFFFF8000  }
.LBB2_2:
0x31: {  	[tilespmem:s12], [sflag:$0x2] =	stream.linear.gather [hbm4b:s21+s2], $0x8000, $0x38;
	[tilespmem:$0x10080] =	vst v63  }
0x32: {  	s21 =	smov.u32 s20  }
0x33: {  	p2 =	sne.s32 s20, $0x3C000;
	s20 =	sadd.s32 $0x2000, s20;
	_ =	swait.ge [sflag:s13], $0x8000  }
0x34: {  	[sflag:s13] =	ssyncset.done $0x0  }
0x35: {  	s22 =	sadd.s32 s21, s11;
	[sflag:s13] =	ssyncadd.s32 $0xFFFF8000  }
0x36: {  	[hbm4b:s22+s2] =	stream.linear.scatter [tilespmem:s2], [sflag:$0x3], $0x8000, $0x38;
	[tilespmem:$0x10080] =	vst v63  }
0x37: {  	_ =	swait.ge [sflag:s14], $0x8000  }
0x38: {  	[sflag:s14] =	ssyncset.done $0x0  }
0x39: {  	s22 =	sadd.s32 $0x1000, s22;
	[sflag:s14] =	ssyncadd.s32 $0xFFFF8000  }
0x3a: {  	[hbm4b:s22+s2] =	stream.linear.scatter [tilespmem:s12], [sflag:$0x4], $0x8000, $0x38;
	[tilespmem:$0x10080] =	vst v63  }
0x3b: {  	_ =	swait.ge [sflag:s15], $0x8000  }
0x3c: {  	s21 =	sadd.s32 s21, s10;
	[sflag:s15] =	ssyncset.done $0x0  }
.Ltmp2:
0x3d: {  	s22 =	sadd.s32 $0x2000, s21;
	[sflag:s15] =	ssyncadd.s32 $0xFFFF8000;
	(pc) =	sbr.rel @p2 .LBB2_2-.Ltmp2, $4  }
0x3e: {  	[tilespmem:s2], [sflag:$0x1] =	stream.linear.gather [hbm4b:s22+s2], $0x8000, $0x38;
	[tilespmem:$0x10080] =	vst v63  }
0x3f: {  	_ =	swait.ge [sflag:s16], $0x8000  }
0x40: {  	[sflag:s16] =	ssyncset.done $0x0  }
0x41: {  	s21 =	sadd.s32 $0x3000, s21;
	[sflag:s16] =	ssyncadd.s32 $0xFFFF8000  }
0x42: {  	[tilespmem:s12], [sflag:$0x2] =	stream.linear.gather [hbm4b:s21+s2], $0x8000, $0x38;
	[tilespmem:$0x10080] =	vst v63  }
0x43: {  	_ =	swait.ge [sflag:s13], $0x8000  }
0x44: {  	[sflag:s13] =	ssyncset.done $0x0  }
0x45: {  	[sflag:s13] =	ssyncadd.s32 $0xFFFF8000  }
0x46: {  	[hbm4b:s8+s2] =	stream.linear.scatter [tilespmem:s2], [sflag:$0x3], $0x8000, $0x38;
	[tilespmem:$0x10080] =	vst v63  }
0x47: {  	_ =	swait.ge [sflag:s14], $0x8000  }
0x48: {  	[sflag:s14] =	ssyncset.done $0x0  }
0x49: {  	[sflag:s14] =	ssyncadd.s32 $0xFFFF8000  }
0x4a: {  	[hbm4b:s9+s2] =	stream.linear.scatter [tilespmem:s12], [sflag:$0x4], $0x8000, $0x38;
	[tilespmem:$0x10080] =	vst v63  }
0x4b: {  	_ =	swait.ge [sflag:s15], $0x8000  }
.Ltmp3:
0x4c: {  	[sflag:s15] =	ssyncset.done $0x0;
	(pc) =	sbr.rel @p0 .LBB2_6-.Ltmp3, $4  }
0x4d: {  	[sflag:s15] =	ssyncadd.s32 $0xFFFF8000  }
0x4e: {  	_ =	swait.ge [sflag:s16], $0x8000  }
0x4f: {  	[sflag:s16] =	ssyncset.done $0x0  }
0x50: {  	[sflag:s16] =	ssyncadd.s32 $0xFFFF8000  }
.Ltmp4:
0x51: {  	(pc) =	sbr.rel @p1 .LBB2_8-.Ltmp4, $1  }
0x52: {  	_ =	sdelay $0x3  }
0x53: {  	[tilespmem:s17], [sflag:$0x5] =	stream.linear.gather [hbm4b:s6+s2], $0x10, $0x38;
	[tilespmem:$0x10080] =	vst v63  }
0x54: {  	_ =	swait.ge [sflag:s18], $0x10  }
0x55: {  	[sflag:s18] =	ssyncset.done $0x0  }
0x56: {  	[sflag:s18] =	ssyncadd.s32 $0xFFFFFFF0  }
0x57: {  	v1 =	vld [tilespmem:$0x10000];
	_ =	sdelay $0x2  }
.Ltmp5:
0x58: {  	_ = 	snop;
	(pc) =	sbr.rel .LBB2_7-.Ltmp5, $4  }
0x59: {  	vm0 =	veq.s32 v0, $0xE  }
0x5a: {  	v1 =	vsel vm0, $0x3F800000, v1  }
0x5b: {  	[tilespmem:$0x10000] =	vst v1  }
0x5c: {  	[hbm4b:s6+s2] =	stream.linear.scatter [tilespmem:s17], [sflag:$0x5], $0x10, $0x38;
	[tilespmem:$0x10080] =	vst v63  }
.LBB2_9:
0x5d: {  	_ =	sfence.sel $0x180000  }
0x5e: {  	[bflag:$0x0] =	sbarrier.arrive $0xFFFF  }
0x5f: {  	p0 =	sne.s32 s0, $0x0;
	_ =	strace $0x90000047  }
0x60: {  	s0 =	sadd.s32 @!p0 $0x100000, s1;
	[bflag:$0x2] =	sbarrier.arrive $0xFFFF  }
0x61: {  	[sflag:s0] =	ssyncadd.tile.s32 @!p0 $0x1;
	_ =	shalt  }
.Lfunc_end2:
_tile_overlayer_lowered:
.L_overlay_start_2:
0x62: {  	(tag) =	ssettag $0x2  }
0x63: {  	s0 =	rddreg [dreg:$0x0];
	s2 =	stileid.u32  }
0x64: {  	s1 =	rddreg [dreg:$0x1];
	p0 =	sne.s32 s2, $0x0  }
0x65: {  	s3 =	rddreg [dreg:$0x2];
	[bflag:$0x3] =	sbarrier.arrive $0xFFFF;
	s2 =	simm.s32 @!p0 $0x1C05  }
0x66: {  	[timem:s3], [sflag:s2] =	dma.local @!p0 [hbm:s0], s1  }
0x67: {  	s0 =	simm.s32 @!p0 $0x5  }
0x68: {  	_ =	swait.ge @!p0 [sflag:s0], s1  }
0x69: {  	s1 =	ssub.s32 @!p0 $0x0, s1;
	[sflag:s0] =	ssyncset.done @!p0 $0x0  }
0x6a: {  	[sflag:s0] =	ssyncadd.s32 @!p0 s1  }
0x6b: {  	[bflag:$0x3] =	sbarrier.arrive $0xFFFF  }
0x6c: {  	_ =	shalt  }

</sc_bundles>
